<compile_context>
chip_gen: v7x
topology: tpu7x:2x2x1
jax: 0.10.2.dev20260603
libtpu: 0.0.44.dev20260713+nightly
codegen_flags: <defaults>
</compile_context>

<pallas_src>
import functools

import jax
import jax.numpy as jnp
from jax import lax
from jax.experimental import pallas as pl
from jax.experimental.pallas import tpu as pltpu
from jax.experimental.pallas import tpu_sc as plsc

_CHUNK = 128


def _sc_info():
    info = plsc.get_sparse_core_info()
    return info.num_cores, info.num_subcores


@functools.lru_cache(maxsize=None)
def _make_sc_gather(n_idx, V, D, NC, NS):
    NW = NC * NS
    n_per_w = n_idx // NW
    n_ch = n_per_w // _CHUNK
    mesh = plsc.VectorSubcoreMesh(core_axis_name="c", subcore_axis_name="s")

    def body(idx_hbm, widx_hbm, v_hbm, emb_hbm, wlin_hbm, v_out, e_out, l_out,
             idx_v, widx_v, vrows, erows, lrows, sem_v, sem_e, sem_l):
        wid = lax.axis_index("s") * NC + lax.axis_index("c")
        base = wid * n_per_w
        pltpu.sync_copy(idx_hbm.at[pl.ds(wid * n_ch, n_ch)], idx_v)
        pltpu.sync_copy(widx_hbm.at[pl.ds(wid * n_ch, n_ch)], widx_v)

        @pl.loop(0, n_ch)
        def _(j):
            dst = pl.ds(j * _CHUNK, _CHUNK)
            pltpu.async_copy(v_hbm.at[idx_v.at[j]], vrows.at[dst], sem_v)
            pltpu.async_copy(emb_hbm.at[idx_v.at[j]], erows.at[dst], sem_e)
            pltpu.async_copy(wlin_hbm.at[widx_v.at[j]], lrows.at[dst], sem_l)

        pltpu.make_async_copy(v_hbm.at[pl.ds(0, n_per_w)], vrows, sem_v).wait()
        pltpu.make_async_copy(emb_hbm.at[pl.ds(0, n_per_w)], erows, sem_e).wait()
        pltpu.make_async_copy(wlin_hbm.at[pl.ds(0, n_per_w)], lrows, sem_l).wait()

        pltpu.sync_copy(vrows, v_out.at[pl.ds(base, n_per_w)])
        pltpu.sync_copy(erows, e_out.at[pl.ds(base, n_per_w)])
        pltpu.sync_copy(lrows, l_out.at[pl.ds(base, n_per_w)])

    return pl.kernel(
        body,
        mesh=mesh,
        compiler_params=pltpu.CompilerParams(use_tc_tiling_on_sc=False),
        out_type=[
            jax.ShapeDtypeStruct((n_idx, D), jnp.float32),
            jax.ShapeDtypeStruct((n_idx, D), jnp.float32),
            jax.ShapeDtypeStruct((n_idx, D), jnp.float32),
        ],
        scratch_types=[
            pltpu.VMEM((n_per_w // _CHUNK, _CHUNK), jnp.int32),
            pltpu.VMEM((n_per_w // _CHUNK, _CHUNK), jnp.int32),
            pltpu.VMEM((n_per_w, D), jnp.float32),
            pltpu.VMEM((n_per_w, D), jnp.float32),
            pltpu.VMEM((n_per_w, D), jnp.float32),
            pltpu.SemaphoreType.DMA,
            pltpu.SemaphoreType.DMA,
            pltpu.SemaphoreType.DMA,
        ],
    )


def _tc_body(fmv_ref, deep_ref, wg_ref, m_ref, A_ref, R_ref, W1_ref, b1_ref,
             W2_ref, b2_ref, woh_ref, wo0_ref, blin_ref, bo_ref, out_ref):
    f32 = jnp.float32
    fv = fmv_ref[...]
    s = jnp.dot(fv, A_ref[...], preferred_element_type=f32)
    ssq = jnp.sum(s * s, axis=1, keepdims=True)
    qsq = jnp.sum(fv * fv, axis=1, keepdims=True)
    mexp = jnp.dot(m_ref[...], R_ref[...], preferred_element_type=f32)
    TB, FD = mexp.shape
    D = A_ref.shape[1]
    lane = (lax.broadcasted_iota(jnp.int32, (TB, FD), 1) % D).astype(f32)
    onehot = jnp.where(lane == mexp, 1.0, 0.0)
    lin_sum = jnp.sum(wg_ref[...] * onehot, axis=1, keepdims=True)
    fm = lin_sum + blin_ref[...] + 0.5 * (ssq - qsq)
    h = jnp.maximum(
        jnp.dot(deep_ref[...], W1_ref[...], preferred_element_type=f32)
        + b1_ref[...], 0.0)
    h = jnp.maximum(
        jnp.dot(h, W2_ref[...], preferred_element_type=f32) + b2_ref[...], 0.0)
    logit = (fm * wo0_ref[...]
             + jnp.dot(h, woh_ref[...], preferred_element_type=f32)
             + bo_ref[...])
    out_ref[...] = jax.nn.sigmoid(logit)


@functools.lru_cache(maxsize=None)
def _make_tc(B, TB, F, D, H1, H2):
    def bcast(i):
        return (0, 0)

    def batched(i):
        return (i, 0)

    return pl.pallas_call(
        _tc_body,
        grid=(B // TB,),
        in_specs=[
            pl.BlockSpec((TB, F * D), batched),
            pl.BlockSpec((TB, F * D), batched),
            pl.BlockSpec((TB, F * D), batched),
            pl.BlockSpec((TB, F), batched),
            pl.BlockSpec((F * D, D), bcast),
            pl.BlockSpec((F, F * D), bcast),
            pl.BlockSpec((F * D, H1), bcast),
            pl.BlockSpec((1, H1), bcast),
            pl.BlockSpec((H1, H2), bcast),
            pl.BlockSpec((1, H2), bcast),
            pl.BlockSpec((H2, 1), bcast),
            pl.BlockSpec((1, 1), bcast),
            pl.BlockSpec((1, 1), bcast),
            pl.BlockSpec((1, 1), bcast),
        ],
        out_specs=pl.BlockSpec((TB, 1), batched),
        out_shape=jax.ShapeDtypeStruct((B, 1), jnp.float32),
        compiler_params=pltpu.CompilerParams(
            dimension_semantics=("parallel",)),
    )


def kernel(x, w_lin, b_lin, v, emb, W1, b1, W2, b2, Wo, bo):
    B, F = x.shape
    V, D = v.shape
    H1 = W1.shape[1]
    H2 = W2.shape[1]
    xi = x.astype(jnp.int32).reshape(B * F)
    pad = (-V) % D
    wl = jnp.pad(w_lin, (0, pad)) if pad else w_lin
    wl2d = wl.reshape((V + pad) // D, D)
    NC, NS = _sc_info()
    sc = _make_sc_gather(B * F, V, D, NC, NS)
    n_rows = B * F // _CHUNK
    vg, eg, lg = sc(xi.reshape(n_rows, _CHUNK),
                    (xi // D).reshape(n_rows, _CHUNK),
                    v, emb, wl2d)
    fmv = vg.reshape(B, F * D)
    deep = eg.reshape(B, F * D)
    wg = lg.reshape(B, F * D)
    m = (xi % D).reshape(B, F).astype(jnp.float32)
    A = jnp.tile(jnp.eye(D, dtype=jnp.float32), (F, 1))
    R = jnp.repeat(jnp.eye(F, dtype=jnp.float32), D, axis=1)
    tc = _make_tc(B, 1024, F, D, H1, H2)
    return tc(fmv, deep, wg, m, A, R,
              W1, b1.reshape(1, H1), W2, b2.reshape(1, H2),
              Wo[1:, :], Wo[0:1, :], b_lin.reshape(1, 1), bo.reshape(1, 1))

# --- scband reference (transcript-rebuilt; emitter-appended) ---
"""Pipeline reference for scband-deep-fm-68582037782807 (READ-ONLY COPY).

The authoritative reference and input builder live on the scoring server;
editing this copy changes nothing except your own understanding.
"""

import jax, jax.numpy as jnp
import numpy as np

V = 1000000
D = 16
B = 16384

def setup_inputs(seed: int = 0) -> dict:
    key = jax.random.key(seed)
    ks = jax.random.split(key, 12)
    x = jax.random.randint(ks[0], (B, 4), 0, V, dtype=jnp.int64) if jax.config.read('jax_enable_x64') else jax.random.randint(ks[0], (B, 4), 0, V)
    w_lin = jax.random.normal(ks[1], (V,), jnp.float32) * 0.01
    b_lin = jnp.zeros((1,), jnp.float32)
    v = jax.random.normal(ks[2], (V, D), jnp.float32) * 0.01
    emb = jax.random.normal(ks[3], (V, D), jnp.float32) * 0.01
    W1 = jax.random.normal(ks[4], (4 * D, 256), jnp.float32) * 0.05
    b1 = jnp.zeros((256,), jnp.float32)
    W2 = jax.random.normal(ks[5], (256, 128), jnp.float32) * 0.05
    b2 = jnp.zeros((128,), jnp.float32)
    Wo = jax.random.normal(ks[6], (128 + 1, 1), jnp.float32) * 0.05
    bo = jnp.zeros((1,), jnp.float32)
    return {"x": x, "w_lin": w_lin, "b_lin": b_lin, "v": v, "emb": emb,
            "W1": W1, "b1": b1, "W2": W2, "b2": b2, "Wo": Wo, "bo": bo}

def reference(x, w_lin, b_lin, v, emb, W1, b1, W2, b2, Wo, bo):
    xi = x.astype(jnp.int32)
    # FM part (index / 'Amazon format' branch)
    linear_part = jnp.sum(jnp.take(w_lin, xi, axis=0), axis=1, keepdims=True) + b_lin
    field_emb = jnp.take(v, xi, axis=0)            # [B, 4, D]
    emb_sum = jnp.sum(field_emb, axis=1)           # [B, D]
    square_of_sum = emb_sum ** 2
    sum_of_square = jnp.sum(field_emb ** 2, axis=1)
    interaction = 0.5 * jnp.sum(square_of_sum - sum_of_square, axis=1, keepdims=True)
    fm_out = linear_part + interaction             # [B, 1]
    # Deep part
    deep_in = jnp.take(emb, xi, axis=0).reshape(x.shape[0], -1)  # [B, 4*D]
    h = jax.nn.relu(deep_in @ W1 + b1)
    h = jax.nn.relu(h @ W2 + b2)
    # dropout in eval mode is identity
    concat = jnp.concatenate([fm_out, h], axis=1)  # [B, 129]
    out = concat @ Wo + bo
    return jax.nn.sigmoid(out)

if __name__ == "__main__":
    import jax
    _d = setup_inputs()
    print(jax.jit(kernel)(*tuple(_d.values())))

</pallas_src>

<mosaic_0001>
#map = affine_map<(d0, d1) -> (0, 0)>
module attributes {stable_mosaic.version = 14 : i64} {
  func.func @body(%arg0: i32, %arg1: i32, %arg2: memref<512x128xi32, #tpu.memory_space<hbm>>, %arg3: memref<512x128xi32, #tpu.memory_space<hbm>>, %arg4: memref<1000000x16xf32, #tpu.memory_space<hbm>>, %arg5: memref<1000000x16xf32, #tpu.memory_space<hbm>>, %arg6: memref<62500x16xf32, #tpu.memory_space<hbm>>, %arg7: memref<65536x16xf32, #tpu.memory_space<hbm>>, %arg8: memref<65536x16xf32, #tpu.memory_space<hbm>>, %arg9: memref<65536x16xf32, #tpu.memory_space<hbm>>, %arg10: memref<16x128xi32, #tpu.memory_space<vmem>>, %arg11: memref<16x128xi32, #tpu.memory_space<vmem>>, %arg12: memref<2048x16xf32, #tpu.memory_space<vmem>>, %arg13: memref<2048x16xf32, #tpu.memory_space<vmem>>, %arg14: memref<2048x16xf32, #tpu.memory_space<vmem>>, %arg15: memref<!tpu.dma_semaphore, #tpu.memory_space<semaphore_mem>>, %arg16: memref<!tpu.dma_semaphore, #tpu.memory_space<semaphore_mem>>, %arg17: memref<!tpu.dma_semaphore, #tpu.memory_space<semaphore_mem>>) attributes {dimension_semantics = [#tpu.dimension_semantics<core_parallel>, #tpu.dimension_semantics<subcore_parallel>], iteration_bounds = array<i64: 2, 16>, scalar_prefetch = 0 : i64, scratch_operands = 8 : i64, tpu.core_type = #tpu.core_type<sc_vector_subcore>, window_params = [{transform_indices = #map}, {transform_indices = #map}, {transform_indices = #map}, {transform_indices = #map}, {transform_indices = #map}, {transform_indices = #map}, {transform_indices = #map}, {transform_indices = #map}]} {
    %mul3A = arith.constant 2 : i32
    %mul3A_0 = arith.muli %arg1, %mul3A : i32
    %add3A = arith.addi %mul3A_0, %arg0 : i32
    %mul3A_1 = arith.constant 2048 : i32
    %mul3A_2 = arith.muli %add3A, %mul3A_1 : i32
    %mul3A_3 = arith.constant 16 : i32
    %mul3A_4 = arith.muli %add3A, %mul3A_3 : i32
    "tpu.region"() ({
      %run_scoped3A = tpu.sem_alloc : memref<!tpu.dma_semaphore, #tpu.memory_space<semaphore_mem>>
      %dma_start3A = arith.constant 0 : i32
      %dma_start3A_28 = tpu.memref_slice %arg2[%mul3A_4, %dma_start3A] : memref<512x128xi32, #tpu.memory_space<hbm>> -> memref<16x128xi32, #tpu.memory_space<hbm>>
      %dma_start3A_29 = arith.constant 0 : i32
      %dma_start3A_30 = tpu.memref_slice %arg2[%mul3A_4, %dma_start3A_29] : memref<512x128xi32, #tpu.memory_space<hbm>> -> memref<16x128xi32, #tpu.memory_space<hbm>>
      tpu.enqueue_dma source(%dma_start3A_30 : memref<16x128xi32, #tpu.memory_space<hbm>>) target(%arg10 : memref<16x128xi32, #tpu.memory_space<vmem>>) target_semaphore(%run_scoped3A : memref<!tpu.dma_semaphore, #tpu.memory_space<semaphore_mem>>)
      %dma_wait3A_31 = arith.constant 0 : i32
      %dma_wait3A_32 = tpu.memref_slice %arg2[%mul3A_4, %dma_wait3A_31] : memref<512x128xi32, #tpu.memory_space<hbm>> -> memref<16x128xi32, #tpu.memory_space<hbm>>
      %dma_wait3A_33 = arith.constant 0 : i32
      %dma_wait3A_34 = tpu.memref_slice %arg2[%mul3A_4, %dma_wait3A_33] : memref<512x128xi32, #tpu.memory_space<hbm>> -> memref<16x128xi32, #tpu.memory_space<hbm>>
      tpu.wait_dma2 semaphore(%run_scoped3A : memref<!tpu.dma_semaphore, #tpu.memory_space<semaphore_mem>>) src(%dma_wait3A_34 : memref<16x128xi32, #tpu.memory_space<hbm>>) dst(%arg10 : memref<16x128xi32, #tpu.memory_space<vmem>>)
      tpu.yield
    }) : () -> ()
    %mul3A_5 = arith.constant 16 : i32
    %mul3A_6 = arith.muli %add3A, %mul3A_5 : i32
    "tpu.region"() ({
      %run_scoped3A = tpu.sem_alloc : memref<!tpu.dma_semaphore, #tpu.memory_space<semaphore_mem>>
      %dma_start3A = arith.constant 0 : i32
      %dma_start3A_28 = tpu.memref_slice %arg3[%mul3A_6, %dma_start3A] : memref<512x128xi32, #tpu.memory_space<hbm>> -> memref<16x128xi32, #tpu.memory_space<hbm>>
      %dma_start3A_29 = arith.constant 0 : i32
      %dma_start3A_30 = tpu.memref_slice %arg3[%mul3A_6, %dma_start3A_29] : memref<512x128xi32, #tpu.memory_space<hbm>> -> memref<16x128xi32, #tpu.memory_space<hbm>>
      tpu.enqueue_dma source(%dma_start3A_30 : memref<16x128xi32, #tpu.memory_space<hbm>>) target(%arg11 : memref<16x128xi32, #tpu.memory_space<vmem>>) target_semaphore(%run_scoped3A : memref<!tpu.dma_semaphore, #tpu.memory_space<semaphore_mem>>)
      %dma_wait3A_31 = arith.constant 0 : i32
      %dma_wait3A_32 = tpu.memref_slice %arg3[%mul3A_6, %dma_wait3A_31] : memref<512x128xi32, #tpu.memory_space<hbm>> -> memref<16x128xi32, #tpu.memory_space<hbm>>
      %dma_wait3A_33 = arith.constant 0 : i32
      %dma_wait3A_34 = tpu.memref_slice %arg3[%mul3A_6, %dma_wait3A_33] : memref<512x128xi32, #tpu.memory_space<hbm>> -> memref<16x128xi32, #tpu.memory_space<hbm>>
      tpu.wait_dma2 semaphore(%run_scoped3A : memref<!tpu.dma_semaphore, #tpu.memory_space<semaphore_mem>>) src(%dma_wait3A_34 : memref<16x128xi32, #tpu.memory_space<hbm>>) dst(%arg11 : memref<16x128xi32, #tpu.memory_space<vmem>>)
      tpu.yield
    }) : () -> ()
    %scan3A = arith.constant 0 : i32
    %scan3A_7 = arith.constant 16 : i32
    %scan3A_8 = arith.addi %scan3A, %scan3A_7 : i32
    %scan3A_9 = arith.constant 1 : i32
    scf.for %scan3A_28 = %scan3A to %scan3A_8 step %scan3A_9  : i32 {
      %mul3A_29 = arith.constant 1 : i32
      %mul3A_30 = arith.muli %scan3A_28, %mul3A_29 : i32
      %add3A_31 = arith.constant 0 : i32
      %add3A_32 = arith.addi %add3A_31, %mul3A_30 : i32
      %mul3A_33 = arith.constant 128 : i32
      %mul3A_34 = arith.muli %add3A_32, %mul3A_33 : i32
      %dma_start3A = arith.constant 0 : i32
      %dma_start3A_35 = tpu.memref_slice %arg12[%mul3A_34, %dma_start3A] : memref<2048x16xf32, #tpu.memory_space<vmem>> -> memref<128x16xf32, #tpu.memory_space<vmem>>
      %dma_start3A_36 = arith.constant 0 : i32
      %dma_start3A_37 = tpu.memref_slice %arg10[%add3A_32, %dma_start3A_36] : memref<16x128xi32, #tpu.memory_space<vmem>> -> memref<1x128xi32, #tpu.memory_space<vmem>>
      %dma_start3A_38 = tpu.memref_squeeze %dma_start3A_37 : memref<1x128xi32, #tpu.memory_space<vmem>> -> memref<128xi32, #tpu.memory_space<vmem>>
      %dma_start3A_39 = arith.constant 0 : i32
      %dma_start3A_40 = arith.constant 0 : i32
      %dma_start3A_41 = tpu.memref_slice %arg4[%dma_start3A_39, %dma_start3A_40] : memref<1000000x16xf32, #tpu.memory_space<hbm>> -> memref<1000000x16xf32, #tpu.memory_space<hbm>>
      tpu.enqueue_indirect_dma source(%dma_start3A_41 : memref<1000000x16xf32, #tpu.memory_space<hbm>>) target(%dma_start3A_35 : memref<128x16xf32, #tpu.memory_space<vmem>>) offsets(%dma_start3A_38 : memref<128xi32, #tpu.memory_space<vmem>>) semaphore(%arg15 : memref<!tpu.dma_semaphore, #tpu.memory_space<semaphore_mem>>)
      %dma_start3A_42 = arith.constant 0 : i32
      %dma_start3A_43 = tpu.memref_slice %arg13[%mul3A_34, %dma_start3A_42] : memref<2048x16xf32, #tpu.memory_space<vmem>> -> memref<128x16xf32, #tpu.memory_space<vmem>>
      %dma_start3A_44 = arith.constant 0 : i32
      %dma_start3A_45 = tpu.memref_slice %arg10[%add3A_32, %dma_start3A_44] : memref<16x128xi32, #tpu.memory_space<vmem>> -> memref<1x128xi32, #tpu.memory_space<vmem>>
      %dma_start3A_46 = tpu.memref_squeeze %dma_start3A_45 : memref<1x128xi32, #tpu.memory_space<vmem>> -> memref<128xi32, #tpu.memory_space<vmem>>
      %dma_start3A_47 = arith.constant 0 : i32
      %dma_start3A_48 = arith.constant 0 : i32
      %dma_start3A_49 = tpu.memref_slice %arg5[%dma_start3A_47, %dma_start3A_48] : memref<1000000x16xf32, #tpu.memory_space<hbm>> -> memref<1000000x16xf32, #tpu.memory_space<hbm>>
      tpu.enqueue_indirect_dma source(%dma_start3A_49 : memref<1000000x16xf32, #tpu.memory_space<hbm>>) target(%dma_start3A_43 : memref<128x16xf32, #tpu.memory_space<vmem>>) offsets(%dma_start3A_46 : memref<128xi32, #tpu.memory_space<vmem>>) semaphore(%arg16 : memref<!tpu.dma_semaphore, #tpu.memory_space<semaphore_mem>>)
      %dma_start3A_50 = arith.constant 0 : i32
      %dma_start3A_51 = tpu.memref_slice %arg14[%mul3A_34, %dma_start3A_50] : memref<2048x16xf32, #tpu.memory_space<vmem>> -> memref<128x16xf32, #tpu.memory_space<vmem>>
      %dma_start3A_52 = arith.constant 0 : i32
      %dma_start3A_53 = tpu.memref_slice %arg11[%add3A_32, %dma_start3A_52] : memref<16x128xi32, #tpu.memory_space<vmem>> -> memref<1x128xi32, #tpu.memory_space<vmem>>
      %dma_start3A_54 = tpu.memref_squeeze %dma_start3A_53 : memref<1x128xi32, #tpu.memory_space<vmem>> -> memref<128xi32, #tpu.memory_space<vmem>>
      %dma_start3A_55 = arith.constant 0 : i32
      %dma_start3A_56 = arith.constant 0 : i32
      %dma_start3A_57 = tpu.memref_slice %arg6[%dma_start3A_55, %dma_start3A_56] : memref<62500x16xf32, #tpu.memory_space<hbm>> -> memref<62500x16xf32, #tpu.memory_space<hbm>>
      tpu.enqueue_indirect_dma source(%dma_start3A_57 : memref<62500x16xf32, #tpu.memory_space<hbm>>) target(%dma_start3A_51 : memref<128x16xf32, #tpu.memory_space<vmem>>) offsets(%dma_start3A_54 : memref<128xi32, #tpu.memory_space<vmem>>) semaphore(%arg17 : memref<!tpu.dma_semaphore, #tpu.memory_space<semaphore_mem>>)
    }
    %scan3A_10 = arith.constant 16 : i32
    %dma_wait3A = arith.constant 0 : i32
    %dma_wait3A_11 = arith.constant 0 : i32
    %dma_wait3A_12 = tpu.memref_slice %arg4[%dma_wait3A, %dma_wait3A_11] : memref<1000000x16xf32, #tpu.memory_space<hbm>> -> memref<2048x16xf32, #tpu.memory_space<hbm>>
    %dma_wait3A_13 = arith.constant 0 : i32
    %dma_wait3A_14 = arith.constant 0 : i32
    %dma_wait3A_15 = tpu.memref_slice %arg4[%dma_wait3A_13, %dma_wait3A_14] : memref<1000000x16xf32, #tpu.memory_space<hbm>> -> memref<2048x16xf32, #tpu.memory_space<hbm>>
    tpu.wait_dma2 semaphore(%arg15 : memref<!tpu.dma_semaphore, #tpu.memory_space<semaphore_mem>>) src(%dma_wait3A_15 : memref<2048x16xf32, #tpu.memory_space<hbm>>) dst(%arg12 : memref<2048x16xf32, #tpu.memory_space<vmem>>)
    %dma_wait3A_16 = arith.constant 0 : i32
    %dma_wait3A_17 = arith.constant 0 : i32
    %dma_wait3A_18 = tpu.memref_slice %arg5[%dma_wait3A_16, %dma_wait3A_17] : memref<1000000x16xf32, #tpu.memory_space<hbm>> -> memref<2048x16xf32, #tpu.memory_space<hbm>>
    %dma_wait3A_19 = arith.constant 0 : i32
    %dma_wait3A_20 = arith.constant 0 : i32
    %dma_wait3A_21 = tpu.memref_slice %arg5[%dma_wait3A_19, %dma_wait3A_20] : memref<1000000x16xf32, #tpu.memory_space<hbm>> -> memref<2048x16xf32, #tpu.memory_space<hbm>>
    tpu.wait_dma2 semaphore(%arg16 : memref<!tpu.dma_semaphore, #tpu.memory_space<semaphore_mem>>) src(%dma_wait3A_21 : memref<2048x16xf32, #tpu.memory_space<hbm>>) dst(%arg13 : memref<2048x16xf32, #tpu.memory_space<vmem>>)
    %dma_wait3A_22 = arith.constant 0 : i32
    %dma_wait3A_23 = arith.constant 0 : i32
    %dma_wait3A_24 = tpu.memref_slice %arg6[%dma_wait3A_22, %dma_wait3A_23] : memref<62500x16xf32, #tpu.memory_space<hbm>> -> memref<2048x16xf32, #tpu.memory_space<hbm>>
    %dma_wait3A_25 = arith.constant 0 : i32
    %dma_wait3A_26 = arith.constant 0 : i32
    %dma_wait3A_27 = tpu.memref_slice %arg6[%dma_wait3A_25, %dma_wait3A_26] : memref<62500x16xf32, #tpu.memory_space<hbm>> -> memref<2048x16xf32, #tpu.memory_space<hbm>>
    tpu.wait_dma2 semaphore(%arg17 : memref<!tpu.dma_semaphore, #tpu.memory_space<semaphore_mem>>) src(%dma_wait3A_27 : memref<2048x16xf32, #tpu.memory_space<hbm>>) dst(%arg14 : memref<2048x16xf32, #tpu.memory_space<vmem>>)
    "tpu.region"() ({
      %run_scoped3A = tpu.sem_alloc : memref<!tpu.dma_semaphore, #tpu.memory_space<semaphore_mem>>
      %dma_start3A = arith.constant 0 : i32
      %dma_start3A_28 = tpu.memref_slice %arg7[%mul3A_2, %dma_start3A] : memref<65536x16xf32, #tpu.memory_space<hbm>> -> memref<2048x16xf32, #tpu.memory_space<hbm>>
      %dma_start3A_29 = arith.constant 0 : i32
      %dma_start3A_30 = tpu.memref_slice %arg7[%mul3A_2, %dma_start3A_29] : memref<65536x16xf32, #tpu.memory_space<hbm>> -> memref<2048x16xf32, #tpu.memory_space<hbm>>
      tpu.enqueue_dma source(%arg12 : memref<2048x16xf32, #tpu.memory_space<vmem>>) target(%dma_start3A_30 : memref<2048x16xf32, #tpu.memory_space<hbm>>) target_semaphore(%run_scoped3A : memref<!tpu.dma_semaphore, #tpu.memory_space<semaphore_mem>>)
      %dma_wait3A_31 = arith.constant 0 : i32
      %dma_wait3A_32 = tpu.memref_slice %arg7[%mul3A_2, %dma_wait3A_31] : memref<65536x16xf32, #tpu.memory_space<hbm>> -> memref<2048x16xf32, #tpu.memory_space<hbm>>
      %dma_wait3A_33 = arith.constant 0 : i32
      %dma_wait3A_34 = tpu.memref_slice %arg7[%mul3A_2, %dma_wait3A_33] : memref<65536x16xf32, #tpu.memory_space<hbm>> -> memref<2048x16xf32, #tpu.memory_space<hbm>>
      tpu.wait_dma2 semaphore(%run_scoped3A : memref<!tpu.dma_semaphore, #tpu.memory_space<semaphore_mem>>) src(%arg12 : memref<2048x16xf32, #tpu.memory_space<vmem>>) dst(%dma_wait3A_34 : memref<2048x16xf32, #tpu.memory_space<hbm>>)
      tpu.yield
    }) : () -> ()
    "tpu.region"() ({
      %run_scoped3A = tpu.sem_alloc : memref<!tpu.dma_semaphore, #tpu.memory_space<semaphore_mem>>
      %dma_start3A = arith.constant 0 : i32
      %dma_start3A_28 = tpu.memref_slice %arg8[%mul3A_2, %dma_start3A] : memref<65536x16xf32, #tpu.memory_space<hbm>> -> memref<2048x16xf32, #tpu.memory_space<hbm>>
      %dma_start3A_29 = arith.constant 0 : i32
      %dma_start3A_30 = tpu.memref_slice %arg8[%mul3A_2, %dma_start3A_29] : memref<65536x16xf32, #tpu.memory_space<hbm>> -> memref<2048x16xf32, #tpu.memory_space<hbm>>
      tpu.enqueue_dma source(%arg13 : memref<2048x16xf32, #tpu.memory_space<vmem>>) target(%dma_start3A_30 : memref<2048x16xf32, #tpu.memory_space<hbm>>) target_semaphore(%run_scoped3A : memref<!tpu.dma_semaphore, #tpu.memory_space<semaphore_mem>>)
      %dma_wait3A_31 = arith.constant 0 : i32
      %dma_wait3A_32 = tpu.memref_slice %arg8[%mul3A_2, %dma_wait3A_31] : memref<65536x16xf32, #tpu.memory_space<hbm>> -> memref<2048x16xf32, #tpu.memory_space<hbm>>
      %dma_wait3A_33 = arith.constant 0 : i32
      %dma_wait3A_34 = tpu.memref_slice %arg8[%mul3A_2, %dma_wait3A_33] : memref<65536x16xf32, #tpu.memory_space<hbm>> -> memref<2048x16xf32, #tpu.memory_space<hbm>>
      tpu.wait_dma2 semaphore(%run_scoped3A : memref<!tpu.dma_semaphore, #tpu.memory_space<semaphore_mem>>) src(%arg13 : memref<2048x16xf32, #tpu.memory_space<vmem>>) dst(%dma_wait3A_34 : memref<2048x16xf32, #tpu.memory_space<hbm>>)
      tpu.yield
    }) : () -> ()
    "tpu.region"() ({
      %run_scoped3A = tpu.sem_alloc : memref<!tpu.dma_semaphore, #tpu.memory_space<semaphore_mem>>
      %dma_start3A = arith.constant 0 : i32
      %dma_start3A_28 = tpu.memref_slice %arg9[%mul3A_2, %dma_start3A] : memref<65536x16xf32, #tpu.memory_space<hbm>> -> memref<2048x16xf32, #tpu.memory_space<hbm>>
      %dma_start3A_29 = arith.constant 0 : i32
      %dma_start3A_30 = tpu.memref_slice %arg9[%mul3A_2, %dma_start3A_29] : memref<65536x16xf32, #tpu.memory_space<hbm>> -> memref<2048x16xf32, #tpu.memory_space<hbm>>
      tpu.enqueue_dma source(%arg14 : memref<2048x16xf32, #tpu.memory_space<vmem>>) target(%dma_start3A_30 : memref<2048x16xf32, #tpu.memory_space<hbm>>) target_semaphore(%run_scoped3A : memref<!tpu.dma_semaphore, #tpu.memory_space<semaphore_mem>>)
      %dma_wait3A_31 = arith.constant 0 : i32
      %dma_wait3A_32 = tpu.memref_slice %arg9[%mul3A_2, %dma_wait3A_31] : memref<65536x16xf32, #tpu.memory_space<hbm>> -> memref<2048x16xf32, #tpu.memory_space<hbm>>
      %dma_wait3A_33 = arith.constant 0 : i32
      %dma_wait3A_34 = tpu.memref_slice %arg9[%mul3A_2, %dma_wait3A_33] : memref<65536x16xf32, #tpu.memory_space<hbm>> -> memref<2048x16xf32, #tpu.memory_space<hbm>>
      tpu.wait_dma2 semaphore(%run_scoped3A : memref<!tpu.dma_semaphore, #tpu.memory_space<semaphore_mem>>) src(%arg14 : memref<2048x16xf32, #tpu.memory_space<vmem>>) dst(%dma_wait3A_34 : memref<2048x16xf32, #tpu.memory_space<hbm>>)
      tpu.yield
    }) : () -> ()
    return
  }
}

module attributes {stable_mosaic.version = 14 : i64} {
  func.func @_tc_body(%arg0: i32, %arg1: memref<1024x64xf32, #tpu.memory_space<vmem>>, %arg2: memref<1024x64xf32, #tpu.memory_space<vmem>>, %arg3: memref<1024x64xf32, #tpu.memory_space<vmem>>, %arg4: memref<1024x4xf32, #tpu.memory_space<vmem>>, %arg5: memref<64x16xf32, #tpu.memory_space<vmem>>, %arg6: memref<4x64xf32, #tpu.memory_space<vmem>>, %arg7: memref<64x256xf32, #tpu.memory_space<vmem>>, %arg8: memref<1x256xf32, #tpu.memory_space<vmem>>, %arg9: memref<256x128xf32, #tpu.memory_space<vmem>>, %arg10: memref<1x128xf32, #tpu.memory_space<vmem>>, %arg11: memref<128x1xf32, #tpu.memory_space<vmem>>, %arg12: memref<1x1xf32, #tpu.memory_space<vmem>>, %arg13: memref<1x1xf32, #tpu.memory_space<vmem>>, %arg14: memref<1x1xf32, #tpu.memory_space<vmem>>, %arg15: memref<1024x1xf32, #tpu.memory_space<vmem>>) attributes {dimension_semantics = [#tpu.dimension_semantics<parallel>], iteration_bounds = array<i64: 16>, scalar_prefetch = 0 : i64, scratch_operands = 0 : i64, tpu.core_type = #tpu.core_type<tc>, window_params = [{transform_indices = @transform_0, window_bounds = array<i64: 1024, 64>}, {transform_indices = @transform_1, window_bounds = array<i64: 1024, 64>}, {transform_indices = @transform_2, window_bounds = array<i64: 1024, 64>}, {transform_indices = @transform_3, window_bounds = array<i64: 1024, 4>}, {pipeline_mode = #tpu.pipeline_mode<synchronous>, transform_indices = @transform_4, window_bounds = array<i64: 64, 16>}, {pipeline_mode = #tpu.pipeline_mode<synchronous>, transform_indices = @transform_5, window_bounds = array<i64: 4, 64>}, {pipeline_mode = #tpu.pipeline_mode<synchronous>, transform_indices = @transform_6, window_bounds = array<i64: 64, 256>}, {pipeline_mode = #tpu.pipeline_mode<synchronous>, transform_indices = @transform_7, window_bounds = array<i64: 1, 256>}, {pipeline_mode = #tpu.pipeline_mode<synchronous>, transform_indices = @transform_8, window_bounds = array<i64: 256, 128>}, {pipeline_mode = #tpu.pipeline_mode<synchronous>, transform_indices = @transform_9, window_bounds = array<i64: 1, 128>}, {pipeline_mode = #tpu.pipeline_mode<synchronous>, transform_indices = @transform_10, window_bounds = array<i64: 128, 1>}, {pipeline_mode = #tpu.pipeline_mode<synchronous>, transform_indices = @transform_11, window_bounds = array<i64: 1, 1>}, {pipeline_mode = #tpu.pipeline_mode<synchronous>, transform_indices = @transform_12, window_bounds = array<i64: 1, 1>}, {pipeline_mode = #tpu.pipeline_mode<synchronous>, transform_indices = @transform_13, window_bounds = array<i64: 1, 1>}, {transform_indices = @transform_14, window_bounds = array<i64: 1024, 1>}]} {
    %get3A = arith.constant 0 : index
    %get3A_0 = arith.constant 0 : index
    %get3A_1 = vector.load %arg1[%get3A, %get3A_0] : memref<1024x64xf32, #tpu.memory_space<vmem>>, vector<1024x64xf32>
    %get3A_2 = arith.constant 0 : index
    %get3A_3 = arith.constant 0 : index
    %get3A_4 = vector.load %arg5[%get3A_2, %get3A_3] : memref<64x16xf32, #tpu.memory_space<vmem>>, vector<64x16xf32>
    %dot_general3A = arith.constant dense<0.000000e+00> : vector<1024x16xf32>
    %dot_general3A_5 = tpu.matmul %get3A_1, %get3A_4, %dot_general3A {dimension_numbers = #tpu.dot_dimension_numbers<[1], [0], [0], [1], [0, 0, 1, 1], [], []>, transpose_lhs_hint = false} : vector<1024x64xf32>, vector<64x16xf32>, vector<1024x16xf32> -> vector<1024x16xf32>
    %mul3A = arith.mulf %dot_general3A_5, %dot_general3A_5 : vector<1024x16xf32>
    %reduce_sum3A = arith.constant dense<0.000000e+00> : vector<1024xf32>
    %reduce_sum3A_6 = vector.multi_reduction <add>, %mul3A, %reduce_sum3A [1] : vector<1024x16xf32> to vector<1024xf32>
    %broadcast_in_dim3A = vector.shape_cast %reduce_sum3A_6 : vector<1024xf32> to vector<1024x1xf32>
    %mul3A_7 = arith.mulf %get3A_1, %get3A_1 : vector<1024x64xf32>
    %reduce_sum3A_8 = arith.constant dense<0.000000e+00> : vector<1024xf32>
    %reduce_sum3A_9 = vector.multi_reduction <add>, %mul3A_7, %reduce_sum3A_8 [1] : vector<1024x64xf32> to vector<1024xf32>
    %broadcast_in_dim3A_10 = vector.shape_cast %reduce_sum3A_9 : vector<1024xf32> to vector<1024x1xf32>
    %get3A_11 = arith.constant 0 : index
    %get3A_12 = arith.constant 0 : index
    %get3A_13 = vector.load %arg4[%get3A_11, %get3A_12] : memref<1024x4xf32, #tpu.memory_space<vmem>>, vector<1024x4xf32>
    %get3A_14 = arith.constant 0 : index
    %get3A_15 = arith.constant 0 : index
    %get3A_16 = vector.load %arg6[%get3A_14, %get3A_15] : memref<4x64xf32, #tpu.memory_space<vmem>>, vector<4x64xf32>
    %dot_general3A_17 = arith.constant dense<0.000000e+00> : vector<1024x64xf32>
    %dot_general3A_18 = tpu.matmul %get3A_13, %get3A_16, %dot_general3A_17 {dimension_numbers = #tpu.dot_dimension_numbers<[1], [0], [0], [1], [0, 0, 1, 1], [], []>, transpose_lhs_hint = false} : vector<1024x4xf32>, vector<4x64xf32>, vector<1024x64xf32> -> vector<1024x64xf32>
    %iota3A = tpu.iota {dimensions = array<i32: 1>} : vector<1024x64xi32>
    %jit3A = arith.constant 16 : i32
    %eq3A = arith.constant 0 : i32
    %eq3A_19 = arith.cmpi eq, %jit3A, %eq3A : i32
    %jit3A_20 = arith.constant 1 : i32
    %select_n3A = arith.select %eq3A_19, %jit3A_20, %jit3A : i32
    %rem3A = vector.broadcast %select_n3A : i32 to vector<1024x64xi32>
    %rem3A_21 = arith.remsi %iota3A, %rem3A : vector<1024x64xi32>
    %ne3A = arith.constant 0 : i32
    %ne3A_22 = vector.broadcast %ne3A : i32 to vector<1024x64xi32>
    %ne3A_23 = arith.cmpi ne, %rem3A_21, %ne3A_22 : vector<1024x64xi32>
    %lt3A = arith.constant 0 : i32
    %lt3A_24 = vector.broadcast %lt3A : i32 to vector<1024x64xi32>
    %lt3A_25 = arith.cmpi slt, %rem3A_21, %lt3A_24 : vector<1024x64xi32>
    %lt3A_26 = arith.constant 0 : i32
    %lt3A_27 = arith.cmpi slt, %select_n3A, %lt3A_26 : i32
    %ne3A_28 = vector.broadcast %lt3A_27 : i1 to vector<1024x64xi1>
    %ne3A_29 = vector.broadcast %ne3A_28 : vector<1024x64xi1> to vector<1024x64xi1>
    %ne3A_30 = arith.xori %lt3A_25, %ne3A_29 : vector<1024x64xi1>
    %and3A = arith.andi %ne3A_30, %ne3A_23 : vector<1024x64xi1>
    %add3A = vector.broadcast %select_n3A : i32 to vector<1024x64xi32>
    %add3A_31 = arith.addi %rem3A_21, %add3A : vector<1024x64xi32>
    %select_n3A_32 = arith.select %and3A, %add3A_31, %rem3A_21 : vector<1024x64xi1>, vector<1024x64xi32>
    %convert_element_type3A = arith.sitofp %select_n3A_32 : vector<1024x64xi32> to vector<1024x64xf32>
    %eq3A_33 = arith.cmpf oeq, %convert_element_type3A, %dot_general3A_18 : vector<1024x64xf32>
    %jit3A_34 = arith.constant 1.000000e+00 : f32
    %jit3A_35 = arith.constant 0.000000e+00 : f32
    %broadcast_in_dim3A_36 = vector.broadcast %jit3A_34 : f32 to vector<1024x64xf32>
    %broadcast_in_dim3A_37 = vector.broadcast %jit3A_35 : f32 to vector<1024x64xf32>
    %select_n3A_38 = arith.select %eq3A_33, %broadcast_in_dim3A_36, %broadcast_in_dim3A_37 : vector<1024x64xi1>, vector<1024x64xf32>
    %get3A_39 = arith.constant 0 : index
    %get3A_40 = arith.constant 0 : index
    %get3A_41 = vector.load %arg3[%get3A_39, %get3A_40] : memref<1024x64xf32, #tpu.memory_space<vmem>>, vector<1024x64xf32>
    %mul3A_42 = arith.mulf %get3A_41, %select_n3A_38 : vector<1024x64xf32>
    %reduce_sum3A_43 = arith.constant dense<0.000000e+00> : vector<1024xf32>
    %reduce_sum3A_44 = vector.multi_reduction <add>, %mul3A_42, %reduce_sum3A_43 [1] : vector<1024x64xf32> to vector<1024xf32>
    %broadcast_in_dim3A_45 = vector.shape_cast %reduce_sum3A_44 : vector<1024xf32> to vector<1024x1xf32>
    %get3A_46 = arith.constant 0 : index
    %get3A_47 = arith.constant 0 : index
    %get3A_48 = vector.load %arg13[%get3A_46, %get3A_47] : memref<1x1xf32, #tpu.memory_space<vmem>>, vector<1x1xf32>
    %add3A_49 = vector.broadcast %get3A_48 : vector<1x1xf32> to vector<1024x1xf32>
    %add3A_50 = arith.addf %broadcast_in_dim3A_45, %add3A_49 : vector<1024x1xf32>
    %sub3A = arith.subf %broadcast_in_dim3A, %broadcast_in_dim3A_10 : vector<1024x1xf32>
    %mul3A_51 = arith.constant 5.000000e-01 : f32
    %mul3A_52 = vector.broadcast %mul3A_51 : f32 to vector<1024x1xf32>
    %mul3A_53 = arith.mulf %mul3A_52, %sub3A : vector<1024x1xf32>
    %add3A_54 = arith.addf %add3A_50, %mul3A_53 : vector<1024x1xf32>
    %get3A_55 = arith.constant 0 : index
    %get3A_56 = arith.constant 0 : index
    %get3A_57 = vector.load %arg2[%get3A_55, %get3A_56] : memref<1024x64xf32, #tpu.memory_space<vmem>>, vector<1024x64xf32>
    %get3A_58 = arith.constant 0 : index
    %get3A_59 = arith.constant 0 : index
    %get3A_60 = vector.load %arg7[%get3A_58, %get3A_59] : memref<64x256xf32, #tpu.memory_space<vmem>>, vector<64x256xf32>
    %dot_general3A_61 = arith.constant dense<0.000000e+00> : vector<1024x256xf32>
    %dot_general3A_62 = tpu.matmul %get3A_57, %get3A_60, %dot_general3A_61 {dimension_numbers = #tpu.dot_dimension_numbers<[1], [0], [0], [1], [0, 0, 1, 1], [], []>, transpose_lhs_hint = false} : vector<1024x64xf32>, vector<64x256xf32>, vector<1024x256xf32> -> vector<1024x256xf32>
    %get3A_63 = arith.constant 0 : index
    %get3A_64 = arith.constant 0 : index
    %get3A_65 = vector.load %arg8[%get3A_63, %get3A_64] : memref<1x256xf32, #tpu.memory_space<vmem>>, vector<1x256xf32>
    %add3A_66 = vector.broadcast %get3A_65 : vector<1x256xf32> to vector<1024x256xf32>
    %add3A_67 = arith.addf %dot_general3A_62, %add3A_66 : vector<1024x256xf32>
    %max3A = arith.constant 0.000000e+00 : f32
    %max3A_68 = vector.broadcast %max3A : f32 to vector<1024x256xf32>
    %max3A_69 = arith.maximumf %add3A_67, %max3A_68 : vector<1024x256xf32>
    %get3A_70 = arith.constant 0 : index
    %get3A_71 = arith.constant 0 : index
    %get3A_72 = vector.load %arg9[%get3A_70, %get3A_71] : memref<256x128xf32, #tpu.memory_space<vmem>>, vector<256x128xf32>
    %dot_general3A_73 = arith.constant dense<0.000000e+00> : vector<1024x128xf32>
    %dot_general3A_74 = tpu.matmul %max3A_69, %get3A_72, %dot_general3A_73 {dimension_numbers = #tpu.dot_dimension_numbers<[1], [0], [0], [1], [0, 0, 1, 1], [], []>, transpose_lhs_hint = false} : vector<1024x256xf32>, vector<256x128xf32>, vector<1024x128xf32> -> vector<1024x128xf32>
    %get3A_75 = arith.constant 0 : index
    %get3A_76 = arith.constant 0 : index
    %get3A_77 = vector.load %arg10[%get3A_75, %get3A_76] : memref<1x128xf32, #tpu.memory_space<vmem>>, vector<1x128xf32>
    %add3A_78 = vector.broadcast %get3A_77 : vector<1x128xf32> to vector<1024x128xf32>
    %add3A_79 = arith.addf %dot_general3A_74, %add3A_78 : vector<1024x128xf32>
    %max3A_80 = arith.constant 0.000000e+00 : f32
    %max3A_81 = vector.broadcast %max3A_80 : f32 to vector<1024x128xf32>
    %max3A_82 = arith.maximumf %add3A_79, %max3A_81 : vector<1024x128xf32>
    %get3A_83 = arith.constant 0 : index
    %get3A_84 = arith.constant 0 : index
    %get3A_85 = vector.load %arg12[%get3A_83, %get3A_84] : memref<1x1xf32, #tpu.memory_space<vmem>>, vector<1x1xf32>
    %mul3A_86 = vector.broadcast %get3A_85 : vector<1x1xf32> to vector<1024x1xf32>
    %mul3A_87 = arith.mulf %add3A_54, %mul3A_86 : vector<1024x1xf32>
    %get3A_88 = arith.constant 0 : index
    %get3A_89 = arith.constant 0 : index
    %get3A_90 = vector.load %arg11[%get3A_88, %get3A_89] : memref<128x1xf32, #tpu.memory_space<vmem>>, vector<128x1xf32>
    %dot_general3A_91 = arith.constant dense<0.000000e+00> : vector<1024x1xf32>
    %dot_general3A_92 = tpu.matmul %max3A_82, %get3A_90, %dot_general3A_91 {dimension_numbers = #tpu.dot_dimension_numbers<[1], [0], [0], [1], [0, 0, 1, 1], [], []>, transpose_lhs_hint = false} : vector<1024x128xf32>, vector<128x1xf32>, vector<1024x1xf32> -> vector<1024x1xf32>
    %add3A_93 = arith.addf %mul3A_87, %dot_general3A_92 : vector<1024x1xf32>
    %get3A_94 = arith.constant 0 : index
    %get3A_95 = arith.constant 0 : index
    %get3A_96 = vector.load %arg14[%get3A_94, %get3A_95] : memref<1x1xf32, #tpu.memory_space<vmem>>, vector<1x1xf32>
    %add3A_97 = vector.broadcast %get3A_96 : vector<1x1xf32> to vector<1024x1xf32>
    %add3A_98 = arith.addf %add3A_93, %add3A_97 : vector<1024x1xf32>
    %logistic3A = arith.negf %add3A_98 : vector<1024x1xf32>
    %logistic3A_99 = math.exp %logistic3A : vector<1024x1xf32>
    %logistic3A_100 = arith.constant 1.000000e+00 : f32
    %logistic3A_101 = vector.broadcast %logistic3A_100 : f32 to vector<1024x1xf32>
    %logistic3A_102 = arith.addf %logistic3A_101, %logistic3A_99 : vector<1024x1xf32>
    %logistic3A_103 = arith.divf %logistic3A_101, %logistic3A_102 : vector<1024x1xf32>
    %swap3A = arith.constant 0 : index
    %swap3A_104 = arith.constant 0 : index
    %swap3A_105 = vector.load %arg15[%swap3A, %swap3A_104] : memref<1024x1xf32, #tpu.memory_space<vmem>>, vector<1024x1xf32>
    tpu.vector_store %arg15[%swap3A, %swap3A_104], %logistic3A_103 {strides = array<i32>} : memref<1024x1xf32, #tpu.memory_space<vmem>>, vector<1024x1xf32>,
    return
  }
  func.func @transform_0(%arg0: i32) -> (i32, i32) {
    %c0_i32 = arith.constant 0 : i32
    %c0_i32_0 = arith.constant 0 : i32
    return %arg0, %c0_i32 : i32, i32
  }
  func.func @transform_1(%arg0: i32) -> (i32, i32) {
    %c0_i32 = arith.constant 0 : i32
    %c0_i32_0 = arith.constant 0 : i32
    return %arg0, %c0_i32 : i32, i32
  }
  func.func @transform_2(%arg0: i32) -> (i32, i32) {
    %c0_i32 = arith.constant 0 : i32
    %c0_i32_0 = arith.constant 0 : i32
    return %arg0, %c0_i32 : i32, i32
  }
  func.func @transform_3(%arg0: i32) -> (i32, i32) {
    %c0_i32 = arith.constant 0 : i32
    %c0_i32_0 = arith.constant 0 : i32
    return %arg0, %c0_i32 : i32, i32
  }
  func.func @transform_4(%arg0: i32) -> (i32, i32) {
    %c0_i32 = arith.constant 0 : i32
    %c0_i32_0 = arith.constant 0 : i32
    %c0_i32_1 = arith.constant 0 : i32
    return %c0_i32, %c0_i32_0 : i32, i32
  }
  func.func @transform_5(%arg0: i32) -> (i32, i32) {
    %c0_i32 = arith.constant 0 : i32
    %c0_i32_0 = arith.constant 0 : i32
    %c0_i32_1 = arith.constant 0 : i32
    return %c0_i32, %c0_i32_0 : i32, i32
  }
  func.func @transform_6(%arg0: i32) -> (i32, i32) {
    %c0_i32 = arith.constant 0 : i32
    %c0_i32_0 = arith.constant 0 : i32
    %c0_i32_1 = arith.constant 0 : i32
    return %c0_i32, %c0_i32_0 : i32, i32
  }
  func.func @transform_7(%arg0: i32) -> (i32, i32) {
    %c0_i32 = arith.constant 0 : i32
    %c0_i32_0 = arith.constant 0 : i32
    %c0_i32_1 = arith.constant 0 : i32
    return %c0_i32, %c0_i32_0 : i32, i32
  }
  func.func @transform_8(%arg0: i32) -> (i32, i32) {
    %c0_i32 = arith.constant 0 : i32
    %c0_i32_0 = arith.constant 0 : i32
    %c0_i32_1 = arith.constant 0 : i32
    return %c0_i32, %c0_i32_0 : i32, i32
  }
  func.func @transform_9(%arg0: i32) -> (i32, i32) {
    %c0_i32 = arith.constant 0 : i32
    %c0_i32_0 = arith.constant 0 : i32
    %c0_i32_1 = arith.constant 0 : i32
    return %c0_i32, %c0_i32_0 : i32, i32
  }
  func.func @transform_10(%arg0: i32) -> (i32, i32) {
    %c0_i32 = arith.constant 0 : i32
    %c0_i32_0 = arith.constant 0 : i32
    %c0_i32_1 = arith.constant 0 : i32
    return %c0_i32, %c0_i32_0 : i32, i32
  }
  func.func @transform_11(%arg0: i32) -> (i32, i32) {
    %c0_i32 = arith.constant 0 : i32
    %c0_i32_0 = arith.constant 0 : i32
    %c0_i32_1 = arith.constant 0 : i32
    return %c0_i32, %c0_i32_0 : i32, i32
  }
  func.func @transform_12(%arg0: i32) -> (i32, i32) {
    %c0_i32 = arith.constant 0 : i32
    %c0_i32_0 = arith.constant 0 : i32
    %c0_i32_1 = arith.constant 0 : i32
    return %c0_i32, %c0_i32_0 : i32, i32
  }
  func.func @transform_13(%arg0: i32) -> (i32, i32) {
    %c0_i32 = arith.constant 0 : i32
    %c0_i32_0 = arith.constant 0 : i32
    %c0_i32_1 = arith.constant 0 : i32
    return %c0_i32, %c0_i32_0 : i32, i32
  }
  func.func @transform_14(%arg0: i32) -> (i32, i32) {
    %c0_i32 = arith.constant 0 : i32
    %c0_i32_0 = arith.constant 0 : i32
    return %arg0, %c0_i32 : i32, i32
  }
}

</mosaic_0001>

<sc_bundles>
// kernel: kernel.4.cloned.1.call-start
scs
__scs_entry_jumppad:
0x0: {  	(pc) =	sbr.rel $0x88, $3  }
0x1: {  	(tag) =	ssettag $0x0;
	lr =	simm.s32 $0x1  }
0x2: {  	[smem:$0x3F96] =	sst lr;
	_ =	strace $0xD0000000  }
0x3: {  	_ = 	snop  }
0x4: {  	_ = 	snop  }
0x5: {  	_ = 	snop  }
0x6: {  	_ = 	snop  }
0x7: {  	_ = 	snop  }
__scs_overlays_trampoline_lowered:
0x8: {  	[smem:$0x3FA5] =	sst s0  }
0x9: {  	[smem:$0x3FA6] =	sst s1  }
0xa: {  	[smem:$0x3FA7] =	sst s2  }
0xb: {  	[smem:$0x3FA8] =	sst s3  }
0xc: {  	[smem:$0x3FA9] =	sst s4  }
0xd: {  	[smem:$0x3FAA] =	sst s5  }
0xe: {  	[smem:$0x3FAB] =	sst s6  }
0xf: {  	[smem:$0x3FAC] =	sst s7  }
0x10: {  	[smem:$0x3FAD] =	sst s8  }
0x11: {  	[smem:$0x3FAE] =	sst s9;
	s0 =	simm.s32 @!p0 $0x0  }
0x12: {  	s1 =	sld [smem:$0x3F94];
	s0 =	simm.s32 @p0 $0x1  }
0x13: {  	[smem:$0x3FAF] =	sst s0;
	s0 =	simm.s32 @!p1 $0x0  }
0x14: {  	s2 =	sld [smem:$0x3F93];
	s0 =	simm.s32 @p1 $0x1  }
0x15: {  	[smem:$0x3FB0] =	sst s0;
	s0 =	simm.s32 @!p2 $0x0  }
0x16: {  	s3 =	sld [smem:$0x3FDB];
	s0 =	simm.s32 @p2 $0x1  }
0x17: {  	s4 =	simm.s32 $0x1BF5;
	[smem:$0x3FB2] =	sst s0  }
0x18: {  	s0 =	sld [smem:$0x3F95];
	_ =	swait.ge [sflag:s4], $0x0  }
0x19: {  	s7 =	sld [smem:$0x3F96]  }
0x1a: {  	s8 =	sadd.s32 $0xFFFFE003, lr  }
0x1b: {  	s9 =	sadd.s32 $0xFFFFFEF7, lr;
	s5 =	simm.s32 $0xFFFFFFFF;
	p2 =	slt.u32 s8, $0xFFFFF086  }
0x1c: {  	p1 =	slt.u32 s9, $0xF7A;
	s5 =	simm.s32 @!p2 $0x0  }
0x1d: {  	s5 =	simm.s32 @p1 $0x1;
	p0 =	seq.s32 s7, s2  }
0x1e: {  	s7 =	smul.u32 @!p0 $0xF7A, s2;
	p2 =	seq.s32 @!p0 s5, $0x0  }
0x1f: {  	s9 =	smul.u32 $0xF7A, s1;
	s8 =	simm.s32 @!p0 $0x1BF5;
	p2 =	por !p2, p0  }
0x20: {  	[sflag:s8] =	ssyncset.s32 @!p0 $0xFFFFF086;
	s6 =	sadd.s32 @!p0 s3, s7;
	s7 =	simm.s32 @!p0 $0x108  }
0x21: {  	s3 =	sadd.s32 s3, s9;
	s6 =	sadd.s32 @!p0 $0x88, s6;
	s7 =	simm.s32 @p2 $0x1082  }
0x22: {  	[simem:s7], [sflag:s8] =	dma.local @!p0 [hbm:s6], $0xF7A  }
0x23: {  	s9 =	sor.u32 $0xD0000000, s2;
	s6 =	simm.s32 $0x108;
	_ =	swait.ge @!p0 [sflag:s8], $0x0  }
0x24: {  	s3 =	sadd.s32 $0x88, s3;
	s6 =	simm.s32 @!p1 $0x1082;
	[sflag:s4] =	ssyncset.s32 $0xFFFFF086  }
0x25: {  	[simem:s6], [sflag:s4] =	dma.local [hbm:s3], $0xF7A  }
0x26: {  	[smem:$0x3F96] =	sst s1;
	(tag) =	ssettag s2;
	_ =	strace s9  }
0x27: {  	s1 =	sld [smem:$0x3FA6]  }
0x28: {  	s2 =	sld [smem:$0x3FA7]  }
0x29: {  	s4 =	sld [smem:$0x3FA9]  }
0x2a: {  	p0 =	seq.s32 s5, $0x0;
	s5 =	sld [smem:$0x3FAA]  }
0x2b: {  	s6 =	sld [smem:$0x3FAB]  }
0x2c: {  	s7 =	sld [smem:$0x3FAC]  }
0x2d: {  	s3 =	simm.s32 $0x108;
	s8 =	sld [smem:$0x3FAD]  }
0x2e: {  	s3 =	simm.s32 @!p0 $0x1082;
	s9 =	sld [smem:$0x3FAE]  }
0x2f: {  	lr =	sadd.s32 s0, s3;
	s0 =	sld [smem:$0x3FA5]  }
0x30: {  	s3 =	sld [smem:$0x3FA8]  }
0x31: {  	[smem:$0x3FB1] =	sst s10  }
0x32: {  	s10 =	sld [smem:$0x3FAF];
	_ =	sdelay $0x3  }
0x33: {  	p0 =	seq.s32 s10, $0x1;
	s10 =	sld [smem:$0x3FB1];
	_ =	sdelay $0x3  }
0x34: {  	[smem:$0x3FB1] =	sst s10  }
0x35: {  	s10 =	sld [smem:$0x3FB0];
	_ =	sdelay $0x3  }
0x36: {  	p1 =	seq.s32 s10, $0x1;
	s10 =	sld [smem:$0x3FB1];
	_ =	sdelay $0x3  }
0x37: {  	[smem:$0x3FB1] =	sst s10  }
0x38: {  	s10 =	sld [smem:$0x3FB2]  }
0x39: {  	_ = 	snop;
	(pc) =	sbr.ind lr, $3  }
0x3a: {  	_ = 	snop  }
0x3b: {  	_ = 	snop  }
0x3c: {  	p2 =	seq.s32 s10, $0x1;
	s10 =	sld [smem:$0x3FB1]  }
0x3d: {  	_ =	shalt  }
0x3e: {  	_ =	shalt  }
0x3f: {  	_ =	shalt  }
0x40: {  	_ =	shalt  }
0x41: {  	_ =	shalt  }
0x42: {  	_ =	shalt  }
0x43: {  	_ =	shalt  }
0x44: {  	_ =	shalt  }
0x45: {  	_ =	shalt  }
0x46: {  	_ =	shalt  }
0x47: {  	_ =	shalt  }
0x48: {  	_ =	shalt  }
0x49: {  	_ =	shalt  }
0x4a: {  	_ =	shalt  }
0x4b: {  	_ =	shalt  }
0x4c: {  	_ =	shalt  }
0x4d: {  	_ =	shalt  }
0x4e: {  	_ =	shalt  }
0x4f: {  	_ =	shalt  }
0x50: {  	_ =	shalt  }
0x51: {  	_ =	shalt  }
0x52: {  	_ =	shalt  }
0x53: {  	_ =	shalt  }
0x54: {  	_ =	shalt  }
0x55: {  	_ =	shalt  }
0x56: {  	_ =	shalt  }
0x57: {  	_ =	shalt  }
0x58: {  	_ =	shalt  }
0x59: {  	_ =	shalt  }
0x5a: {  	_ =	shalt  }
0x5b: {  	_ =	shalt  }
0x5c: {  	_ =	shalt  }
0x5d: {  	_ =	shalt  }
0x5e: {  	_ =	shalt  }
0x5f: {  	_ =	shalt  }
0x60: {  	_ =	shalt  }
0x61: {  	_ =	shalt  }
0x62: {  	_ =	shalt  }
0x63: {  	_ =	shalt  }
0x64: {  	_ =	shalt  }
0x65: {  	_ =	shalt  }
0x66: {  	_ =	shalt  }
0x67: {  	_ =	shalt  }
0x68: {  	_ =	shalt  }
0x69: {  	_ =	shalt  }
0x6a: {  	_ =	shalt  }
0x6b: {  	_ =	shalt  }
0x6c: {  	_ =	shalt  }
0x6d: {  	_ =	shalt  }
0x6e: {  	_ =	shalt  }
0x6f: {  	_ =	shalt  }
0x70: {  	_ =	shalt  }
0x71: {  	_ =	shalt  }
0x72: {  	_ =	shalt  }
0x73: {  	_ =	shalt  }
0x74: {  	_ =	shalt  }
0x75: {  	_ =	shalt  }
0x76: {  	_ =	shalt  }
0x77: {  	_ =	shalt  }
0x78: {  	_ =	shalt  }
0x79: {  	_ =	shalt  }
0x7a: {  	_ =	shalt  }
0x7b: {  	_ =	shalt  }
0x7c: {  	_ =	shalt  }
0x7d: {  	_ =	shalt  }
0x7e: {  	_ =	shalt  }
0x7f: {  	_ =	shalt  }
0x80: {  	_ =	shalt  }
0x81: {  	_ =	shalt  }
0x82: {  	_ =	shalt  }
0x83: {  	_ =	shalt  }
0x84: {  	_ =	shalt  }
0x85: {  	_ =	shalt  }
0x86: {  	_ =	shalt  }
0x87: {  	_ =	shalt  }
.Lfunc_end0:
.L_simem_size_0:
called_computation_lowered:
.L_overlay_start_0:
0x88: {  	s2 =	sld [smem:$0x3FD9]  }
0x89: {  	s3 =	sld [smem:$0x3FFE];
	_ =	sdelay $0x1  }
0x8a: {  	s1 =	srdreg.scid  }
0x8b: {  	s0 =	sand.u32 $0x1, s1  }
0x8c: {  	s17 =	sshll.u32 s0, $0xA;
	s2 =	sadd.s32 s3, s2  }
0x8d: {  	s2 =	sadd.s32 s2, s17  }
0x8e: {  	[smem:$0x3FBD] =	sst s2  }
0x8f: {  	_ = 	snop  }
0x90: {  	s2 =	sld [smem:$0x3FC8];
	(tm) =	ssettm $0x1  }
0x91: {  	s18 =	sld [smem:$0x3FFB];
	_ =	sdelay $0x3  }
0x92: {  	_ =	strace s18  }
0x93: {  	s3 =	sld [smem:$0x3FFC];
	_ =	sdelay $0x3  }
0x94: {  	_ =	strace s3  }
0x95: {  	s3 =	sld [smem:$0x3FFD];
	_ =	sdelay $0x3  }
0x96: {  	_ =	strace s3  }
0x97: {  	_ =	strace $0x8FFFFFFF  }
0x98: {  	s19 =	sld [smem:$0x3FDB];
	_ =	sdelay $0x1  }
0x99: {  	s4 =	simm.s32 $_scs_section_size  }
0x9a: {  	s5 =	simm.s32 $_size__tile_overlayer_lowered;
	s6 =	simm.s32 $_tile_overlayer_lowered  }
0x9b: {  	s22 =	simm.s32 $0x1BFF;
	s21 =	sshll.u32 s6, $0x1;
	s3 =	sadd.s32 s4, s19  }
0x9c: {  	s7 =	simm.s32 $0x0;
	s20 =	sshll.u32 s5, $0x1;
	s5 =	sadd.s32 s21, s3  }
0x9d: {  	[timem:s7], [sflag:s22] =	dma.local [hbm:s5], s20  }
0x9e: {  	_ =	swait.ge [sflag:s22], s20  }
0x9f: {  	s4 =	ssub.s32 $0x0, s20;
	[sflag:s22] =	ssyncset.done $0x0  }
0xa0: {  	[sflag:s22] =	ssyncadd.s32 s4;
	_ =	sdelay $0x1  }
0xa1: {  	s23 =	simm.s32 $0x1B8B  }
0xa2: {  	_ =	swait.ge [sflag:s23], $0x1  }
0xa3: {  	[sflag:s23] =	ssyncset.done $0x0  }
0xa4: {  	s25 =	simm.s32 $0x1B8E;
	s24 =	sld [smem:$0x3FFE];
	[sflag:s23] =	ssyncadd.s32 $0xFFFFFFFF  }
0xa5: {  	s26 =	simm.s32 $execute0_lowered;
	[smem:$0x3FD2] =	sst s25  }
0xa6: {  	s5 =	sshll.u32 s26, $0x1;
	_ =	strace $0x80000046;
	[dreg:$0x1] =	wrdreg $0xFFFFFFFF  }
0xa7: {  	s28 =	simm.s32 $_size_execute0_lowered;
	s3 =	sadd.s32 s3, s5;
	[dreg:$0x0] =	wrdreg $0x0  }
0xa8: {  	s5 =	sshll.u32 s28, $0x1;
	[dreg:$0x2] =	wrdreg s3  }
0xa9: {  	[dreg:$0x3] =	wrdreg s5  }
0xaa: {  	[dreg:$0x4] =	wrdreg $0xC0  }
0xab: {  	_ =	task [dreg:s7], $0x5FFFF  }
0xac: {  	[dreg:$0x1] =	wrdreg $0xFFFFFFFF  }
0xad: {  	[dreg:$0x0] =	wrdreg $0x60  }
0xae: {  	[dreg:$0x2] =	wrdreg s24  }
0xaf: {  	[dreg:$0x3] =	wrdreg s2  }
0xb0: {  	[dreg:$0x4] =	wrdreg $0x9  }
0xb1: {  	_ =	task.clear_ibuf [dreg:s7], $0x5FFFF;
	_ =	strace $0x90000046  }
0xb2: {  	s29 =	simm.s32 $0x9;
	_ =	strace $0x80000048  }
0xb3: {  	_ =	swait.ge [sflag:s29], $0x1  }
0xb4: {  	[sflag:s29] =	ssyncadd.s32 $0xFFFFFFFF  }
0xb5: {  	_ =	strace $0x90000048  }
0xb6: {  	_ =	sfence  }
0xb7: {  	s30 =	sld [smem:$0x0];
	_ =	sdelay $0x2  }
0xb8: {  	s31 =	sshll.u32 s1, $0xD;
	s1 =	sshrl.u32 s1, $0x2  }
0xb9: {  	s3 =	sand.u32 $0x4000, s31;
	s1 =	sadd.s32 s1, s30  }
0xba: {  	s0 =	sor.u32 s3, s0;
	s1 =	sshll.u32 s1, $0x11  }
0xbb: {  	s0 =	sor.u32 s1, s0  }
0xbc: {  	s0 =	sadd.s32 $0x8F2B, s0  }
0xbd: {  	[sflag:s0] =	ssyncadd.remote.s32 $0x1  }
0xbe: {  	_ =	sfence.sel $0xFFFF  }
0xbf: {  	[dreg:$0x0] =	wrdreg $0xFFFFFFFF;
	(pc) =	sbr.abs _section_cstart, $3  }
0xc0: {  	[dreg:$0x1] =	wrdreg $0xFFFFFFFF  }
0xc1: {  	_ =	task.clear_ibuf [dreg:s7], $0x2FFFF;
	_ =	strace $0x9FFFFFFF  }
0xc2: {  	(tm) =	ssettm $0x7FFFFFFF  }
0xc3: {  	_ =	shalt  }
tec
execute0_lowered:
.L_overlay_start_1:
0x0: {  	(tag) =	ssettag $0x1  }
0x1: {  	s6 =	rddreg [dreg:$0x0];
	s1 =	srdreg.scid  }
0x2: {  	s0 =	stileid.u32;
	s2 =	rddreg [dreg:$0x1];
	s3 =	simm.s32 $0x0  }
0x3: {  	s13 =	simm.s32 $0x80;
	s14 =	simm.s32 $0x1;
	s15 =	simm.s32 $0x2  }
0x4: {  	s16 =	simm.s32 $0x3;
	s17 =	simm.s32 $0x1000;
	s18 =	simm.s32 $0x9000  }
0x5: {  	s19 =	simm.s32 $0x11000;
	s4 =	sand.u32 $0x1, s1;
	s1 =	rddreg [dreg:$0x2]  }
0x6: {  	s20 =	simm.s32 $0x0;
	s5 =	sshll.u32 s0, $0x1;
	[smem:$0x7FF] =	sst s3  }
0x7: {  	s5 =	sor.u32 s4, s5;
	_ =	strace $0x80000047;
	s8 =	ssub.s32 $0x2, s4  }
0x8: {  	s4 =	sadd.s32 $0x1170600, s6;
	s7 =	sshll.u32 s5, $0x8;
	s9 =	sshll.u32 s5, $0xC  }
0x9: {  	s10 =	sshrl.u32 s8, $0x1;
	s5 =	sadd.s32 $0xF88000, s6;
	s7 =	sadd.s32 s7, s6  }
0xa: {  	s11 =	sadd.s32 s9, s6;
	s12 =	ssub.s32 s8, s10;
	s6 =	sadd.s32 $0x41C00, s7  }
0xb: {  	s7 =	sadd.s32 $0x43C00, s7;
	s8 =	sadd.s32 $0x45C00, s11;
	s9 =	sadd.s32 $0x65C00, s11  }
0xc: {  	s10 =	sadd.s32 $0x85C00, s11;
	s11 =	smax.u32 s12, $0x1;
	s12 =	simm.s32 $0x4  }
.LBB2_1:
0xd: {  	[tilespmem:s3], [sflag:$0x4] =	stream.linear.gather [hbm4b:s6+s3], $0x800, $0x38;
	[tilespmem:$0x19000] =	vst v63  }
0xe: {  	_ =	swait.ge [sflag:s12], $0x800  }
0xf: {  	[sflag:s12] =	ssyncset.done $0x0  }
0x10: {  	s21 =	simm.s32 $0x800;
	[sflag:s12] =	ssyncadd.s32 $0xFFFFF800  }
0x11: {  	[tilespmem:s21], [sflag:$0x4] =	stream.linear.gather [hbm4b:s7+s3], $0x800, $0x38;
	[tilespmem:$0x19000] =	vst v63  }
0x12: {  	_ =	swait.ge [sflag:s12], $0x800  }
0x13: {  	[sflag:s12] =	ssyncset.done $0x0  }
0x14: {  	s22 =	simm.s32 $0x1000;
	[sflag:s12] =	ssyncadd.s32 $0xFFFFF800  }
0x15: {  	[tilespmem:s22], [sflag:$0x1] =	stream.indirect.gather [hbm4b:s4+s13], $0x10, s3, s13, $0xb8;
	[tilespmem:$0x19000] =	vst v63  }
0x16: {  	s28 =	simm.s32 $0x9000  }
0x17: {  	[tilespmem:s28], [sflag:$0x2] =	stream.indirect.gather [hbm4b:s5+s13], $0x10, s3, s13, $0xb8;
	[tilespmem:$0x19000] =	vst v63  }
0x18: {  	s29 =	simm.s32 $0x11000  }
0x19: {  	[tilespmem:s29], [sflag:$0x3] =	stream.indirect.gather [hbm4b:s2+s13], $0x10, s21, s13, $0xb8;
	[tilespmem:$0x19000] =	vst v63  }
0x1a: {  	s30 =	simm.s32 $0x80;
	s23 =	simm.s32 $0x1800;
	s31 =	simm.s32 $0x9800  }
0x1b: {  	[tilespmem:s23], [sflag:$0x1] =	stream.indirect.gather [hbm4b:s4+s13], $0x10, s30, s13, $0xb8;
	[tilespmem:$0x19000] =	vst v63  }
0x1c: {  	s24 =	simm.s32 $0x100;
	s22 =	simm.s32 $0x800;
	s23 =	simm.s32 $0x4000  }
0x1d: {  	[tilespmem:s31], [sflag:$0x2] =	stream.indirect.gather [hbm4b:s5+s13], $0x10, s30, s13, $0xb8;
	[tilespmem:$0x19000] =	vst v63  }
.LBB2_2:
0x1e: {  	s25 =	sadd.s32 $0x11000, s22  }
0x1f: {  	s22 =	sshra.s32 s23, $0x2;
	s21 =	sadd.s32 $0x80, s21;
	p0 =	sne.s32 s23, $0x1E000  }
0x20: {  	[tilespmem:s25], [sflag:$0x3] =	stream.indirect.gather [hbm4b:s2+s13], $0x10, s21, s13, $0xb8;
	[tilespmem:$0x19000] =	vst v63  }
.Ltmp0:
0x21: {  	_ = 	snop;
	(pc) =	sbr.rel @p0 .LBB2_2-.Ltmp0, $4  }
0x22: {  	s23 =	sadd.s32 $0x2000, s23;
	s25 =	sadd.s32 $0x1000, s22  }
0x23: {  	[tilespmem:s25], [sflag:$0x1] =	stream.indirect.gather [hbm4b:s4+s13], $0x10, s24, s13, $0xb8;
	[tilespmem:$0x19000] =	vst v63  }
0x24: {  	s26 =	smov.u32 s24;
	s25 =	sadd.s32 $0x9000, s22;
	s24 =	sadd.s32 $0x80, s24  }
0x25: {  	[tilespmem:s25], [sflag:$0x2] =	stream.indirect.gather [hbm4b:s5+s13], $0x10, s26, s13, $0xb8;
	[tilespmem:$0x19000] =	vst v63  }
0x26: {  	s22 =	sadd.s32 $0x11000, s22;
	s21 =	sadd.s32 $0x80, s21  }
0x27: {  	[tilespmem:s22], [sflag:$0x3] =	stream.indirect.gather [hbm4b:s2+s13], $0x10, s21, s13, $0xb8;
	[tilespmem:$0x19000] =	vst v63  }
0x28: {  	_ =	swait.ge [sflag:s14], $0x8000  }
0x29: {  	[sflag:s14] =	ssyncset.done $0x0  }
0x2a: {  	[sflag:s14] =	ssyncadd.s32 $0xFFFF8000  }
0x2b: {  	_ =	swait.ge [sflag:s15], $0x8000  }
0x2c: {  	[sflag:s15] =	ssyncset.done $0x0  }
0x2d: {  	[sflag:s15] =	ssyncadd.s32 $0xFFFF8000  }
0x2e: {  	_ =	swait.ge [sflag:s16], $0x8000  }
0x2f: {  	[sflag:s16] =	ssyncset.done $0x0  }
0x30: {  	[sflag:s16] =	ssyncadd.s32 $0xFFFF8000  }
0x31: {  	[hbm4b:s8+s3] =	stream.linear.scatter [tilespmem:s17], [sflag:$0x4], $0x8000, $0x38;
	[tilespmem:$0x19000] =	vst v63  }
0x32: {  	_ =	swait.ge [sflag:s12], $0x8000  }
0x33: {  	[sflag:s12] =	ssyncset.done $0x0  }
0x34: {  	[sflag:s12] =	ssyncadd.s32 $0xFFFF8000  }
0x35: {  	[hbm4b:s9+s3] =	stream.linear.scatter [tilespmem:s18], [sflag:$0x4], $0x8000, $0x38;
	[tilespmem:$0x19000] =	vst v63  }
0x36: {  	s20 =	sadd.s32 $0x1, s20;
	_ =	swait.ge [sflag:s12], $0x8000  }
0x37: {  	p0 =	sne.s32 s20, s11;
	[sflag:s12] =	ssyncset.done $0x0  }
.Ltmp1:
0x38: {  	[sflag:s12] =	ssyncadd.s32 $0xFFFF8000;
	(pc) =	sbr.rel @p0 .LBB2_1-.Ltmp1, $4  }
0x39: {  	[hbm4b:s10+s3] =	stream.linear.scatter [tilespmem:s19], [sflag:$0x4], $0x8000, $0x38;
	[tilespmem:$0x19000] =	vst v63  }
0x3a: {  	_ =	swait.ge [sflag:s12], $0x8000  }
0x3b: {  	[sflag:s12] =	ssyncset.done $0x0  }
0x3c: {  	[sflag:s12] =	ssyncadd.s32 $0xFFFF8000  }
0x3d: {  	_ =	sfence.sel $0x180000  }
0x3e: {  	[bflag:$0x0] =	sbarrier.arrive $0xFFFF  }
0x3f: {  	p0 =	sne.s32 s0, $0x0;
	_ =	strace $0x90000047  }
0x40: {  	s0 =	sadd.s32 @!p0 $0x100000, s1;
	[bflag:$0x2] =	sbarrier.arrive $0xFFFF  }
0x41: {  	[sflag:s0] =	ssyncadd.tile.s32 @!p0 $0x1;
	_ =	shalt  }
.Lfunc_end2:
_tile_overlayer_lowered:
.L_overlay_start_2:
0x42: {  	(tag) =	ssettag $0x2  }
0x43: {  	s0 =	rddreg [dreg:$0x0];
	s2 =	stileid.u32  }
0x44: {  	s1 =	rddreg [dreg:$0x1];
	p0 =	sne.s32 s2, $0x0  }
0x45: {  	s3 =	rddreg [dreg:$0x2];
	[bflag:$0x3] =	sbarrier.arrive $0xFFFF;
	s2 =	simm.s32 @!p0 $0x1C04  }
0x46: {  	[timem:s3], [sflag:s2] =	dma.local @!p0 [hbm:s0], s1  }
0x47: {  	s0 =	simm.s32 @!p0 $0x4  }
0x48: {  	_ =	swait.ge @!p0 [sflag:s0], s1  }
0x49: {  	s1 =	ssub.s32 @!p0 $0x0, s1;
	[sflag:s0] =	ssyncset.done @!p0 $0x0  }
0x4a: {  	[sflag:s0] =	ssyncadd.s32 @!p0 s1  }
0x4b: {  	[bflag:$0x3] =	sbarrier.arrive $0xFFFF  }
0x4c: {  	_ =	shalt  }

</sc_bundles>
